<compile_context>
chip_gen: v7x
topology: tpu7x:2x2x1
jax: 0.10.2.dev20260603
libtpu: 0.0.44.dev20260713+nightly
codegen_flags: <defaults>
</compile_context>

<pallas_src>
import functools

import jax
import jax.numpy as jnp
from jax import lax
from jax.experimental import pallas as pl
from jax.experimental.pallas import tpu as pltpu
from jax.experimental.pallas import tpu_sc as plsc

_VOCAB = 1000
_TBL_PAD = 1024
_PAD = 1


def _table_body(emb_ref, w_ref, b_ref, out_ref):
    t = lax.dot_general(
        w_ref[...], emb_ref[...], (((0,), (1,)), ((), ())),
        preferred_element_type=jnp.float32,
    )
    col = lax.broadcasted_iota(jnp.int32, t.shape, 1)
    out_ref[...] = jnp.where(col == _PAD, 0.0, t) + b_ref[...]


def _build_table(emb, w, b2):
    return pl.pallas_call(
        _table_body,
        out_shape=jax.ShapeDtypeStruct((1, _VOCAB), jnp.float32),
    )(emb, w, b2)


def _sc_lookup(table_row, idx):
    info = plsc.get_sparse_core_info()
    nw = info.num_cores * info.num_subcores
    lanes = info.num_lanes
    batch = idx.shape[0]
    bpw = batch // nw
    mesh = plsc.VectorSubcoreMesh(core_axis_name="c", subcore_axis_name="s")

    @functools.partial(
        pl.kernel,
        out_type=jax.ShapeDtypeStruct((batch,), jnp.float32),
        mesh=mesh,
        scratch_types=[
            pltpu.VMEM((_TBL_PAD,), jnp.float32),
            pltpu.VMEM((bpw,), jnp.int32),
            pltpu.VMEM((bpw,), jnp.float32),
            pltpu.SemaphoreType.DMA,
            pltpu.SemaphoreType.DMA,
        ],
        compiler_params=pltpu.CompilerParams(
            needs_layout_passes=False, skip_device_barrier=True
        ),
    )
    def k(table_hbm, idx_hbm, out_hbm, table_v, idx_v, out_v, sem_t, sem_i):
        wid = lax.axis_index("s") * info.num_cores + lax.axis_index("c")
        base = wid * bpw
        tbl_cp = pltpu.async_copy(table_hbm.at[0], table_v.at[pl.ds(0, _VOCAB)], sem_t)
        idx_cp = pltpu.async_copy(idx_hbm.at[pl.ds(base, bpw)], idx_v, sem_i)
        tbl_cp.wait()
        idx_cp.wait()
        for j in range(bpw // lanes):
            iv = idx_v[pl.ds(j * lanes, lanes)]
            out_v[pl.ds(j * lanes, lanes)] = plsc.load_gather(table_v, [iv])
        pltpu.sync_copy(out_v, out_hbm.at[pl.ds(base, bpw)])

    return k(table_row, idx)


def kernel(indices, emb, W, b):
    idx0 = indices[0, :, 0].astype(jnp.int32)
    table = _build_table(emb, W, b.reshape(1, 1))
    return _sc_lookup(table, idx0)[:, None]

# --- scband reference (transcript-rebuilt; emitter-appended) ---
"""Pipeline reference for scband-test-11879879544099 (READ-ONLY COPY).

The authoritative reference and input builder live on the scoring server;
editing this copy changes nothing except your own understanding.
"""

import jax, jax.numpy as jnp
import numpy as np

SEQ = 50
BATCH = 16384
VOCAB = 1000
DIM = 100
PAD_IDX = 1


def setup_inputs(seed: int = 0) -> dict:
    key = jax.random.key(seed)
    k1, k2, k3 = jax.random.split(key, 3)
    # forward arg: LongTensor [seq_len, batch, nfeat=1] (OpenNMT Embeddings layout)
    indices = jax.random.randint(k1, (SEQ, BATCH, 1), 0, VOCAB)
    # embedding table (padding row zeroed, like nn.Embedding(padding_idx=1))
    emb = jax.random.normal(k2, (VOCAB, DIM), dtype=jnp.float32)
    emb = emb.at[PAD_IDX].set(0.0)
    # dense: Linear(100, 1)
    W = jax.random.normal(k3, (DIM, 1), dtype=jnp.float32) * 0.05
    b = jnp.zeros((1,), dtype=jnp.float32)
    return {"indices": indices, "emb": emb, "W": W, "b": b}


def reference(indices, emb, W, b):
    # Embeddings forward (eval mode -> dropout is identity):
    # gather word vectors for the single word feature
    idx = indices[..., 0]                      # [SEQ, BATCH]
    embedded = jnp.take(emb, idx, axis=0)      # [SEQ, BATCH, DIM]
    # padding_idx semantics: pad positions embed to zeros
    mask = (idx != PAD_IDX)[..., None].astype(embedded.dtype)
    embedded = embedded * mask
    # forward: dense(inp[0])
    x = embedded[0]                            # [BATCH, DIM]
    return x @ W + b                           # [BATCH, 1]

if __name__ == "__main__":
    import jax
    _d = setup_inputs()
    print(jax.jit(kernel)(*tuple(_d.values())))

</pallas_src>

<mosaic_0001>
#map = affine_map<(d0, d1) -> (0, 0)>
#map1 = affine_map<(d0, d1) -> (0)>
module attributes {stable_mosaic.version = 14 : i64} {
  func.func @k(%arg0: i32, %arg1: i32, %arg2: memref<1x1000xf32, #tpu.memory_space<hbm>>, %arg3: memref<16384xi32, #tpu.memory_space<hbm>>, %arg4: memref<16384xf32, #tpu.memory_space<hbm>>, %arg5: memref<1024xf32, #tpu.memory_space<vmem>>, %arg6: memref<512xi32, #tpu.memory_space<vmem>>, %arg7: memref<512xf32, #tpu.memory_space<vmem>>, %arg8: memref<!tpu.dma_semaphore, #tpu.memory_space<semaphore_mem>>, %arg9: memref<!tpu.dma_semaphore, #tpu.memory_space<semaphore_mem>>) attributes {dimension_semantics = [#tpu.dimension_semantics<core_parallel>, #tpu.dimension_semantics<subcore_parallel>], iteration_bounds = array<i64: 2, 16>, scalar_prefetch = 0 : i64, scratch_operands = 5 : i64, tpu.core_type = #tpu.core_type<sc_vector_subcore>, window_params = [{transform_indices = #map}, {transform_indices = #map1}, {transform_indices = #map1}]} {
    %mul3A = arith.constant 2 : i32
    %mul3A_0 = arith.muli %arg1, %mul3A : i32
    %add3A = arith.addi %mul3A_0, %arg0 : i32
    %mul3A_1 = arith.constant 512 : i32
    %mul3A_2 = arith.muli %add3A, %mul3A_1 : i32
    %dma_start3A = arith.constant 0 : i32
    %dma_start3A_3 = arith.constant 0 : i32
    %dma_start3A_4 = tpu.memref_slice %arg5[%dma_start3A_3] : memref<1024xf32, #tpu.memory_space<vmem>> -> memref<1000xf32, #tpu.memory_space<vmem>>
    %dma_start3A_5 = arith.constant 0 : i32
    %dma_start3A_6 = tpu.memref_slice %arg2[%dma_start3A, %dma_start3A_5] : memref<1x1000xf32, #tpu.memory_space<hbm>> -> memref<1x1000xf32, #tpu.memory_space<hbm>>
    %dma_start3A_7 = tpu.memref_squeeze %dma_start3A_6 : memref<1x1000xf32, #tpu.memory_space<hbm>> -> memref<1000xf32, #tpu.memory_space<hbm>>
    %dma_start3A_8 = arith.constant 0 : i32
    %dma_start3A_9 = tpu.memref_slice %arg5[%dma_start3A_8] : memref<1024xf32, #tpu.memory_space<vmem>> -> memref<1000xf32, #tpu.memory_space<vmem>>
    %dma_start3A_10 = arith.constant 0 : i32
    %dma_start3A_11 = tpu.memref_slice %arg2[%dma_start3A, %dma_start3A_10] : memref<1x1000xf32, #tpu.memory_space<hbm>> -> memref<1x1000xf32, #tpu.memory_space<hbm>>
    %dma_start3A_12 = tpu.memref_squeeze %dma_start3A_11 : memref<1x1000xf32, #tpu.memory_space<hbm>> -> memref<1000xf32, #tpu.memory_space<hbm>>
    tpu.enqueue_dma source(%dma_start3A_12 : memref<1000xf32, #tpu.memory_space<hbm>>) target(%dma_start3A_9 : memref<1000xf32, #tpu.memory_space<vmem>>) target_semaphore(%arg8 : memref<!tpu.dma_semaphore, #tpu.memory_space<semaphore_mem>>)
    %dma_start3A_13 = tpu.memref_slice %arg3[%mul3A_2] : memref<16384xi32, #tpu.memory_space<hbm>> -> memref<512xi32, #tpu.memory_space<hbm>>
    %dma_start3A_14 = tpu.memref_slice %arg3[%mul3A_2] : memref<16384xi32, #tpu.memory_space<hbm>> -> memref<512xi32, #tpu.memory_space<hbm>>
    tpu.enqueue_dma source(%dma_start3A_14 : memref<512xi32, #tpu.memory_space<hbm>>) target(%arg6 : memref<512xi32, #tpu.memory_space<vmem>>) target_semaphore(%arg9 : memref<!tpu.dma_semaphore, #tpu.memory_space<semaphore_mem>>)
    %dma_wait3A = arith.constant 0 : i32
    %dma_wait3A_15 = arith.constant 0 : i32
    %dma_wait3A_16 = tpu.memref_slice %arg5[%dma_wait3A_15] : memref<1024xf32, #tpu.memory_space<vmem>> -> memref<1000xf32, #tpu.memory_space<vmem>>
    %dma_wait3A_17 = arith.constant 0 : i32
    %dma_wait3A_18 = tpu.memref_slice %arg2[%dma_wait3A, %dma_wait3A_17] : memref<1x1000xf32, #tpu.memory_space<hbm>> -> memref<1x1000xf32, #tpu.memory_space<hbm>>
    %dma_wait3A_19 = tpu.memref_squeeze %dma_wait3A_18 : memref<1x1000xf32, #tpu.memory_space<hbm>> -> memref<1000xf32, #tpu.memory_space<hbm>>
    %dma_wait3A_20 = arith.constant 0 : i32
    %dma_wait3A_21 = tpu.memref_slice %arg5[%dma_wait3A_20] : memref<1024xf32, #tpu.memory_space<vmem>> -> memref<1000xf32, #tpu.memory_space<vmem>>
    %dma_wait3A_22 = arith.constant 0 : i32
    %dma_wait3A_23 = tpu.memref_slice %arg2[%dma_wait3A, %dma_wait3A_22] : memref<1x1000xf32, #tpu.memory_space<hbm>> -> memref<1x1000xf32, #tpu.memory_space<hbm>>
    %dma_wait3A_24 = tpu.memref_squeeze %dma_wait3A_23 : memref<1x1000xf32, #tpu.memory_space<hbm>> -> memref<1000xf32, #tpu.memory_space<hbm>>
    tpu.wait_dma2 semaphore(%arg8 : memref<!tpu.dma_semaphore, #tpu.memory_space<semaphore_mem>>) src(%dma_wait3A_24 : memref<1000xf32, #tpu.memory_space<hbm>>) dst(%dma_wait3A_21 : memref<1000xf32, #tpu.memory_space<vmem>>)
    %dma_wait3A_25 = tpu.memref_slice %arg3[%mul3A_2] : memref<16384xi32, #tpu.memory_space<hbm>> -> memref<512xi32, #tpu.memory_space<hbm>>
    %dma_wait3A_26 = tpu.memref_slice %arg3[%mul3A_2] : memref<16384xi32, #tpu.memory_space<hbm>> -> memref<512xi32, #tpu.memory_space<hbm>>
    tpu.wait_dma2 semaphore(%arg9 : memref<!tpu.dma_semaphore, #tpu.memory_space<semaphore_mem>>) src(%dma_wait3A_26 : memref<512xi32, #tpu.memory_space<hbm>>) dst(%arg6 : memref<512xi32, #tpu.memory_space<vmem>>)
    %get3A = arith.constant 0 : index
    %get3A_27 = tpu.vector_load %arg6[%get3A] {strides = array<i32>} : memref<512xi32, #tpu.memory_space<vmem>>, vector<16xi32>,
    %gather3A = tpu.vector_load_idx %arg5[%get3A_27] : memref<1024xf32, #tpu.memory_space<vmem>>[vector<16xi32>], vector<16xf32>,
    %swap3A = arith.constant 0 : index
    %swap3A_28 = tpu.vector_load %arg7[%swap3A] {strides = array<i32>} : memref<512xf32, #tpu.memory_space<vmem>>, vector<16xf32>,
    tpu.vector_store %arg7[%swap3A], %gather3A {strides = array<i32>} : memref<512xf32, #tpu.memory_space<vmem>>, vector<16xf32>,
    %get3A_29 = arith.constant 16 : index
    %get3A_30 = tpu.vector_load %arg6[%get3A_29] {strides = array<i32>} : memref<512xi32, #tpu.memory_space<vmem>>, vector<16xi32>,
    %gather3A_31 = tpu.vector_load_idx %arg5[%get3A_30] : memref<1024xf32, #tpu.memory_space<vmem>>[vector<16xi32>], vector<16xf32>,
    %swap3A_32 = arith.constant 16 : index
    %swap3A_33 = tpu.vector_load %arg7[%swap3A_32] {strides = array<i32>} : memref<512xf32, #tpu.memory_space<vmem>>, vector<16xf32>,
    tpu.vector_store %arg7[%swap3A_32], %gather3A_31 {strides = array<i32>} : memref<512xf32, #tpu.memory_space<vmem>>, vector<16xf32>,
    %get3A_34 = arith.constant 32 : index
    %get3A_35 = tpu.vector_load %arg6[%get3A_34] {strides = array<i32>} : memref<512xi32, #tpu.memory_space<vmem>>, vector<16xi32>,
    %gather3A_36 = tpu.vector_load_idx %arg5[%get3A_35] : memref<1024xf32, #tpu.memory_space<vmem>>[vector<16xi32>], vector<16xf32>,
    %swap3A_37 = arith.constant 32 : index
    %swap3A_38 = tpu.vector_load %arg7[%swap3A_37] {strides = array<i32>} : memref<512xf32, #tpu.memory_space<vmem>>, vector<16xf32>,
    tpu.vector_store %arg7[%swap3A_37], %gather3A_36 {strides = array<i32>} : memref<512xf32, #tpu.memory_space<vmem>>, vector<16xf32>,
    %get3A_39 = arith.constant 48 : index
    %get3A_40 = tpu.vector_load %arg6[%get3A_39] {strides = array<i32>} : memref<512xi32, #tpu.memory_space<vmem>>, vector<16xi32>,
    %gather3A_41 = tpu.vector_load_idx %arg5[%get3A_40] : memref<1024xf32, #tpu.memory_space<vmem>>[vector<16xi32>], vector<16xf32>,
    %swap3A_42 = arith.constant 48 : index
    %swap3A_43 = tpu.vector_load %arg7[%swap3A_42] {strides = array<i32>} : memref<512xf32, #tpu.memory_space<vmem>>, vector<16xf32>,
    tpu.vector_store %arg7[%swap3A_42], %gather3A_41 {strides = array<i32>} : memref<512xf32, #tpu.memory_space<vmem>>, vector<16xf32>,
    %get3A_44 = arith.constant 64 : index
    %get3A_45 = tpu.vector_load %arg6[%get3A_44] {strides = array<i32>} : memref<512xi32, #tpu.memory_space<vmem>>, vector<16xi32>,
    %gather3A_46 = tpu.vector_load_idx %arg5[%get3A_45] : memref<1024xf32, #tpu.memory_space<vmem>>[vector<16xi32>], vector<16xf32>,
    %swap3A_47 = arith.constant 64 : index
    %swap3A_48 = tpu.vector_load %arg7[%swap3A_47] {strides = array<i32>} : memref<512xf32, #tpu.memory_space<vmem>>, vector<16xf32>,
    tpu.vector_store %arg7[%swap3A_47], %gather3A_46 {strides = array<i32>} : memref<512xf32, #tpu.memory_space<vmem>>, vector<16xf32>,
    %get3A_49 = arith.constant 80 : index
    %get3A_50 = tpu.vector_load %arg6[%get3A_49] {strides = array<i32>} : memref<512xi32, #tpu.memory_space<vmem>>, vector<16xi32>,
    %gather3A_51 = tpu.vector_load_idx %arg5[%get3A_50] : memref<1024xf32, #tpu.memory_space<vmem>>[vector<16xi32>], vector<16xf32>,
    %swap3A_52 = arith.constant 80 : index
    %swap3A_53 = tpu.vector_load %arg7[%swap3A_52] {strides = array<i32>} : memref<512xf32, #tpu.memory_space<vmem>>, vector<16xf32>,
    tpu.vector_store %arg7[%swap3A_52], %gather3A_51 {strides = array<i32>} : memref<512xf32, #tpu.memory_space<vmem>>, vector<16xf32>,
    %get3A_54 = arith.constant 96 : index
    %get3A_55 = tpu.vector_load %arg6[%get3A_54] {strides = array<i32>} : memref<512xi32, #tpu.memory_space<vmem>>, vector<16xi32>,
    %gather3A_56 = tpu.vector_load_idx %arg5[%get3A_55] : memref<1024xf32, #tpu.memory_space<vmem>>[vector<16xi32>], vector<16xf32>,
    %swap3A_57 = arith.constant 96 : index
    %swap3A_58 = tpu.vector_load %arg7[%swap3A_57] {strides = array<i32>} : memref<512xf32, #tpu.memory_space<vmem>>, vector<16xf32>,
    tpu.vector_store %arg7[%swap3A_57], %gather3A_56 {strides = array<i32>} : memref<512xf32, #tpu.memory_space<vmem>>, vector<16xf32>,
    %get3A_59 = arith.constant 112 : index
    %get3A_60 = tpu.vector_load %arg6[%get3A_59] {strides = array<i32>} : memref<512xi32, #tpu.memory_space<vmem>>, vector<16xi32>,
    %gather3A_61 = tpu.vector_load_idx %arg5[%get3A_60] : memref<1024xf32, #tpu.memory_space<vmem>>[vector<16xi32>], vector<16xf32>,
    %swap3A_62 = arith.constant 112 : index
    %swap3A_63 = tpu.vector_load %arg7[%swap3A_62] {strides = array<i32>} : memref<512xf32, #tpu.memory_space<vmem>>, vector<16xf32>,
    tpu.vector_store %arg7[%swap3A_62], %gather3A_61 {strides = array<i32>} : memref<512xf32, #tpu.memory_space<vmem>>, vector<16xf32>,
    %get3A_64 = arith.constant 128 : index
    %get3A_65 = tpu.vector_load %arg6[%get3A_64] {strides = array<i32>} : memref<512xi32, #tpu.memory_space<vmem>>, vector<16xi32>,
    %gather3A_66 = tpu.vector_load_idx %arg5[%get3A_65] : memref<1024xf32, #tpu.memory_space<vmem>>[vector<16xi32>], vector<16xf32>,
    %swap3A_67 = arith.constant 128 : index
    %swap3A_68 = tpu.vector_load %arg7[%swap3A_67] {strides = array<i32>} : memref<512xf32, #tpu.memory_space<vmem>>, vector<16xf32>,
    tpu.vector_store %arg7[%swap3A_67], %gather3A_66 {strides = array<i32>} : memref<512xf32, #tpu.memory_space<vmem>>, vector<16xf32>,
    %get3A_69 = arith.constant 144 : index
    %get3A_70 = tpu.vector_load %arg6[%get3A_69] {strides = array<i32>} : memref<512xi32, #tpu.memory_space<vmem>>, vector<16xi32>,
    %gather3A_71 = tpu.vector_load_idx %arg5[%get3A_70] : memref<1024xf32, #tpu.memory_space<vmem>>[vector<16xi32>], vector<16xf32>,
    %swap3A_72 = arith.constant 144 : index
    %swap3A_73 = tpu.vector_load %arg7[%swap3A_72] {strides = array<i32>} : memref<512xf32, #tpu.memory_space<vmem>>, vector<16xf32>,
    tpu.vector_store %arg7[%swap3A_72], %gather3A_71 {strides = array<i32>} : memref<512xf32, #tpu.memory_space<vmem>>, vector<16xf32>,
    %get3A_74 = arith.constant 160 : index
    %get3A_75 = tpu.vector_load %arg6[%get3A_74] {strides = array<i32>} : memref<512xi32, #tpu.memory_space<vmem>>, vector<16xi32>,
    %gather3A_76 = tpu.vector_load_idx %arg5[%get3A_75] : memref<1024xf32, #tpu.memory_space<vmem>>[vector<16xi32>], vector<16xf32>,
    %swap3A_77 = arith.constant 160 : index
    %swap3A_78 = tpu.vector_load %arg7[%swap3A_77] {strides = array<i32>} : memref<512xf32, #tpu.memory_space<vmem>>, vector<16xf32>,
    tpu.vector_store %arg7[%swap3A_77], %gather3A_76 {strides = array<i32>} : memref<512xf32, #tpu.memory_space<vmem>>, vector<16xf32>,
    %get3A_79 = arith.constant 176 : index
    %get3A_80 = tpu.vector_load %arg6[%get3A_79] {strides = array<i32>} : memref<512xi32, #tpu.memory_space<vmem>>, vector<16xi32>,
    %gather3A_81 = tpu.vector_load_idx %arg5[%get3A_80] : memref<1024xf32, #tpu.memory_space<vmem>>[vector<16xi32>], vector<16xf32>,
    %swap3A_82 = arith.constant 176 : index
    %swap3A_83 = tpu.vector_load %arg7[%swap3A_82] {strides = array<i32>} : memref<512xf32, #tpu.memory_space<vmem>>, vector<16xf32>,
    tpu.vector_store %arg7[%swap3A_82], %gather3A_81 {strides = array<i32>} : memref<512xf32, #tpu.memory_space<vmem>>, vector<16xf32>,
    %get3A_84 = arith.constant 192 : index
    %get3A_85 = tpu.vector_load %arg6[%get3A_84] {strides = array<i32>} : memref<512xi32, #tpu.memory_space<vmem>>, vector<16xi32>,
    %gather3A_86 = tpu.vector_load_idx %arg5[%get3A_85] : memref<1024xf32, #tpu.memory_space<vmem>>[vector<16xi32>], vector<16xf32>,
    %swap3A_87 = arith.constant 192 : index
    %swap3A_88 = tpu.vector_load %arg7[%swap3A_87] {strides = array<i32>} : memref<512xf32, #tpu.memory_space<vmem>>, vector<16xf32>,
    tpu.vector_store %arg7[%swap3A_87], %gather3A_86 {strides = array<i32>} : memref<512xf32, #tpu.memory_space<vmem>>, vector<16xf32>,
    %get3A_89 = arith.constant 208 : index
    %get3A_90 = tpu.vector_load %arg6[%get3A_89] {strides = array<i32>} : memref<512xi32, #tpu.memory_space<vmem>>, vector<16xi32>,
    %gather3A_91 = tpu.vector_load_idx %arg5[%get3A_90] : memref<1024xf32, #tpu.memory_space<vmem>>[vector<16xi32>], vector<16xf32>,
    %swap3A_92 = arith.constant 208 : index
    %swap3A_93 = tpu.vector_load %arg7[%swap3A_92] {strides = array<i32>} : memref<512xf32, #tpu.memory_space<vmem>>, vector<16xf32>,
    tpu.vector_store %arg7[%swap3A_92], %gather3A_91 {strides = array<i32>} : memref<512xf32, #tpu.memory_space<vmem>>, vector<16xf32>,
    %get3A_94 = arith.constant 224 : index
    %get3A_95 = tpu.vector_load %arg6[%get3A_94] {strides = array<i32>} : memref<512xi32, #tpu.memory_space<vmem>>, vector<16xi32>,
    %gather3A_96 = tpu.vector_load_idx %arg5[%get3A_95] : memref<1024xf32, #tpu.memory_space<vmem>>[vector<16xi32>], vector<16xf32>,
    %swap3A_97 = arith.constant 224 : index
    %swap3A_98 = tpu.vector_load %arg7[%swap3A_97] {strides = array<i32>} : memref<512xf32, #tpu.memory_space<vmem>>, vector<16xf32>,
    tpu.vector_store %arg7[%swap3A_97], %gather3A_96 {strides = array<i32>} : memref<512xf32, #tpu.memory_space<vmem>>, vector<16xf32>,
    %get3A_99 = arith.constant 240 : index
    %get3A_100 = tpu.vector_load %arg6[%get3A_99] {strides = array<i32>} : memref<512xi32, #tpu.memory_space<vmem>>, vector<16xi32>,
    %gather3A_101 = tpu.vector_load_idx %arg5[%get3A_100] : memref<1024xf32, #tpu.memory_space<vmem>>[vector<16xi32>], vector<16xf32>,
    %swap3A_102 = arith.constant 240 : index
    %swap3A_103 = tpu.vector_load %arg7[%swap3A_102] {strides = array<i32>} : memref<512xf32, #tpu.memory_space<vmem>>, vector<16xf32>,
    tpu.vector_store %arg7[%swap3A_102], %gather3A_101 {strides = array<i32>} : memref<512xf32, #tpu.memory_space<vmem>>, vector<16xf32>,
    %get3A_104 = arith.constant 256 : index
    %get3A_105 = tpu.vector_load %arg6[%get3A_104] {strides = array<i32>} : memref<512xi32, #tpu.memory_space<vmem>>, vector<16xi32>,
    %gather3A_106 = tpu.vector_load_idx %arg5[%get3A_105] : memref<1024xf32, #tpu.memory_space<vmem>>[vector<16xi32>], vector<16xf32>,
    %swap3A_107 = arith.constant 256 : index
    %swap3A_108 = tpu.vector_load %arg7[%swap3A_107] {strides = array<i32>} : memref<512xf32, #tpu.memory_space<vmem>>, vector<16xf32>,
    tpu.vector_store %arg7[%swap3A_107], %gather3A_106 {strides = array<i32>} : memref<512xf32, #tpu.memory_space<vmem>>, vector<16xf32>,
    %get3A_109 = arith.constant 272 : index
    %get3A_110 = tpu.vector_load %arg6[%get3A_109] {strides = array<i32>} : memref<512xi32, #tpu.memory_space<vmem>>, vector<16xi32>,
    %gather3A_111 = tpu.vector_load_idx %arg5[%get3A_110] : memref<1024xf32, #tpu.memory_space<vmem>>[vector<16xi32>], vector<16xf32>,
    %swap3A_112 = arith.constant 272 : index
    %swap3A_113 = tpu.vector_load %arg7[%swap3A_112] {strides = array<i32>} : memref<512xf32, #tpu.memory_space<vmem>>, vector<16xf32>,
    tpu.vector_store %arg7[%swap3A_112], %gather3A_111 {strides = array<i32>} : memref<512xf32, #tpu.memory_space<vmem>>, vector<16xf32>,
    %get3A_114 = arith.constant 288 : index
    %get3A_115 = tpu.vector_load %arg6[%get3A_114] {strides = array<i32>} : memref<512xi32, #tpu.memory_space<vmem>>, vector<16xi32>,
    %gather3A_116 = tpu.vector_load_idx %arg5[%get3A_115] : memref<1024xf32, #tpu.memory_space<vmem>>[vector<16xi32>], vector<16xf32>,
    %swap3A_117 = arith.constant 288 : index
    %swap3A_118 = tpu.vector_load %arg7[%swap3A_117] {strides = array<i32>} : memref<512xf32, #tpu.memory_space<vmem>>, vector<16xf32>,
    tpu.vector_store %arg7[%swap3A_117], %gather3A_116 {strides = array<i32>} : memref<512xf32, #tpu.memory_space<vmem>>, vector<16xf32>,
    %get3A_119 = arith.constant 304 : index
    %get3A_120 = tpu.vector_load %arg6[%get3A_119] {strides = array<i32>} : memref<512xi32, #tpu.memory_space<vmem>>, vector<16xi32>,
    %gather3A_121 = tpu.vector_load_idx %arg5[%get3A_120] : memref<1024xf32, #tpu.memory_space<vmem>>[vector<16xi32>], vector<16xf32>,
    %swap3A_122 = arith.constant 304 : index
    %swap3A_123 = tpu.vector_load %arg7[%swap3A_122] {strides = array<i32>} : memref<512xf32, #tpu.memory_space<vmem>>, vector<16xf32>,
    tpu.vector_store %arg7[%swap3A_122], %gather3A_121 {strides = array<i32>} : memref<512xf32, #tpu.memory_space<vmem>>, vector<16xf32>,
    %get3A_124 = arith.constant 320 : index
    %get3A_125 = tpu.vector_load %arg6[%get3A_124] {strides = array<i32>} : memref<512xi32, #tpu.memory_space<vmem>>, vector<16xi32>,
    %gather3A_126 = tpu.vector_load_idx %arg5[%get3A_125] : memref<1024xf32, #tpu.memory_space<vmem>>[vector<16xi32>], vector<16xf32>,
    %swap3A_127 = arith.constant 320 : index
    %swap3A_128 = tpu.vector_load %arg7[%swap3A_127] {strides = array<i32>} : memref<512xf32, #tpu.memory_space<vmem>>, vector<16xf32>,
    tpu.vector_store %arg7[%swap3A_127], %gather3A_126 {strides = array<i32>} : memref<512xf32, #tpu.memory_space<vmem>>, vector<16xf32>,
    %get3A_129 = arith.constant 336 : index
    %get3A_130 = tpu.vector_load %arg6[%get3A_129] {strides = array<i32>} : memref<512xi32, #tpu.memory_space<vmem>>, vector<16xi32>,
    %gather3A_131 = tpu.vector_load_idx %arg5[%get3A_130] : memref<1024xf32, #tpu.memory_space<vmem>>[vector<16xi32>], vector<16xf32>,
    %swap3A_132 = arith.constant 336 : index
    %swap3A_133 = tpu.vector_load %arg7[%swap3A_132] {strides = array<i32>} : memref<512xf32, #tpu.memory_space<vmem>>, vector<16xf32>,
    tpu.vector_store %arg7[%swap3A_132], %gather3A_131 {strides = array<i32>} : memref<512xf32, #tpu.memory_space<vmem>>, vector<16xf32>,
    %get3A_134 = arith.constant 352 : index
    %get3A_135 = tpu.vector_load %arg6[%get3A_134] {strides = array<i32>} : memref<512xi32, #tpu.memory_space<vmem>>, vector<16xi32>,
    %gather3A_136 = tpu.vector_load_idx %arg5[%get3A_135] : memref<1024xf32, #tpu.memory_space<vmem>>[vector<16xi32>], vector<16xf32>,
    %swap3A_137 = arith.constant 352 : index
    %swap3A_138 = tpu.vector_load %arg7[%swap3A_137] {strides = array<i32>} : memref<512xf32, #tpu.memory_space<vmem>>, vector<16xf32>,
    tpu.vector_store %arg7[%swap3A_137], %gather3A_136 {strides = array<i32>} : memref<512xf32, #tpu.memory_space<vmem>>, vector<16xf32>,
    %get3A_139 = arith.constant 368 : index
    %get3A_140 = tpu.vector_load %arg6[%get3A_139] {strides = array<i32>} : memref<512xi32, #tpu.memory_space<vmem>>, vector<16xi32>,
    %gather3A_141 = tpu.vector_load_idx %arg5[%get3A_140] : memref<1024xf32, #tpu.memory_space<vmem>>[vector<16xi32>], vector<16xf32>,
    %swap3A_142 = arith.constant 368 : index
    %swap3A_143 = tpu.vector_load %arg7[%swap3A_142] {strides = array<i32>} : memref<512xf32, #tpu.memory_space<vmem>>, vector<16xf32>,
    tpu.vector_store %arg7[%swap3A_142], %gather3A_141 {strides = array<i32>} : memref<512xf32, #tpu.memory_space<vmem>>, vector<16xf32>,
    %get3A_144 = arith.constant 384 : index
    %get3A_145 = tpu.vector_load %arg6[%get3A_144] {strides = array<i32>} : memref<512xi32, #tpu.memory_space<vmem>>, vector<16xi32>,
    %gather3A_146 = tpu.vector_load_idx %arg5[%get3A_145] : memref<1024xf32, #tpu.memory_space<vmem>>[vector<16xi32>], vector<16xf32>,
    %swap3A_147 = arith.constant 384 : index
    %swap3A_148 = tpu.vector_load %arg7[%swap3A_147] {strides = array<i32>} : memref<512xf32, #tpu.memory_space<vmem>>, vector<16xf32>,
    tpu.vector_store %arg7[%swap3A_147], %gather3A_146 {strides = array<i32>} : memref<512xf32, #tpu.memory_space<vmem>>, vector<16xf32>,
    %get3A_149 = arith.constant 400 : index
    %get3A_150 = tpu.vector_load %arg6[%get3A_149] {strides = array<i32>} : memref<512xi32, #tpu.memory_space<vmem>>, vector<16xi32>,
    %gather3A_151 = tpu.vector_load_idx %arg5[%get3A_150] : memref<1024xf32, #tpu.memory_space<vmem>>[vector<16xi32>], vector<16xf32>,
    %swap3A_152 = arith.constant 400 : index
    %swap3A_153 = tpu.vector_load %arg7[%swap3A_152] {strides = array<i32>} : memref<512xf32, #tpu.memory_space<vmem>>, vector<16xf32>,
    tpu.vector_store %arg7[%swap3A_152], %gather3A_151 {strides = array<i32>} : memref<512xf32, #tpu.memory_space<vmem>>, vector<16xf32>,
    %get3A_154 = arith.constant 416 : index
    %get3A_155 = tpu.vector_load %arg6[%get3A_154] {strides = array<i32>} : memref<512xi32, #tpu.memory_space<vmem>>, vector<16xi32>,
    %gather3A_156 = tpu.vector_load_idx %arg5[%get3A_155] : memref<1024xf32, #tpu.memory_space<vmem>>[vector<16xi32>], vector<16xf32>,
    %swap3A_157 = arith.constant 416 : index
    %swap3A_158 = tpu.vector_load %arg7[%swap3A_157] {strides = array<i32>} : memref<512xf32, #tpu.memory_space<vmem>>, vector<16xf32>,
    tpu.vector_store %arg7[%swap3A_157], %gather3A_156 {strides = array<i32>} : memref<512xf32, #tpu.memory_space<vmem>>, vector<16xf32>,
    %get3A_159 = arith.constant 432 : index
    %get3A_160 = tpu.vector_load %arg6[%get3A_159] {strides = array<i32>} : memref<512xi32, #tpu.memory_space<vmem>>, vector<16xi32>,
    %gather3A_161 = tpu.vector_load_idx %arg5[%get3A_160] : memref<1024xf32, #tpu.memory_space<vmem>>[vector<16xi32>], vector<16xf32>,
    %swap3A_162 = arith.constant 432 : index
    %swap3A_163 = tpu.vector_load %arg7[%swap3A_162] {strides = array<i32>} : memref<512xf32, #tpu.memory_space<vmem>>, vector<16xf32>,
    tpu.vector_store %arg7[%swap3A_162], %gather3A_161 {strides = array<i32>} : memref<512xf32, #tpu.memory_space<vmem>>, vector<16xf32>,
    %get3A_164 = arith.constant 448 : index
    %get3A_165 = tpu.vector_load %arg6[%get3A_164] {strides = array<i32>} : memref<512xi32, #tpu.memory_space<vmem>>, vector<16xi32>,
    %gather3A_166 = tpu.vector_load_idx %arg5[%get3A_165] : memref<1024xf32, #tpu.memory_space<vmem>>[vector<16xi32>], vector<16xf32>,
    %swap3A_167 = arith.constant 448 : index
    %swap3A_168 = tpu.vector_load %arg7[%swap3A_167] {strides = array<i32>} : memref<512xf32, #tpu.memory_space<vmem>>, vector<16xf32>,
    tpu.vector_store %arg7[%swap3A_167], %gather3A_166 {strides = array<i32>} : memref<512xf32, #tpu.memory_space<vmem>>, vector<16xf32>,
    %get3A_169 = arith.constant 464 : index
    %get3A_170 = tpu.vector_load %arg6[%get3A_169] {strides = array<i32>} : memref<512xi32, #tpu.memory_space<vmem>>, vector<16xi32>,
    %gather3A_171 = tpu.vector_load_idx %arg5[%get3A_170] : memref<1024xf32, #tpu.memory_space<vmem>>[vector<16xi32>], vector<16xf32>,
    %swap3A_172 = arith.constant 464 : index
    %swap3A_173 = tpu.vector_load %arg7[%swap3A_172] {strides = array<i32>} : memref<512xf32, #tpu.memory_space<vmem>>, vector<16xf32>,
    tpu.vector_store %arg7[%swap3A_172], %gather3A_171 {strides = array<i32>} : memref<512xf32, #tpu.memory_space<vmem>>, vector<16xf32>,
    %get3A_174 = arith.constant 480 : index
    %get3A_175 = tpu.vector_load %arg6[%get3A_174] {strides = array<i32>} : memref<512xi32, #tpu.memory_space<vmem>>, vector<16xi32>,
    %gather3A_176 = tpu.vector_load_idx %arg5[%get3A_175] : memref<1024xf32, #tpu.memory_space<vmem>>[vector<16xi32>], vector<16xf32>,
    %swap3A_177 = arith.constant 480 : index
    %swap3A_178 = tpu.vector_load %arg7[%swap3A_177] {strides = array<i32>} : memref<512xf32, #tpu.memory_space<vmem>>, vector<16xf32>,
    tpu.vector_store %arg7[%swap3A_177], %gather3A_176 {strides = array<i32>} : memref<512xf32, #tpu.memory_space<vmem>>, vector<16xf32>,
    %get3A_179 = arith.constant 496 : index
    %get3A_180 = tpu.vector_load %arg6[%get3A_179] {strides = array<i32>} : memref<512xi32, #tpu.memory_space<vmem>>, vector<16xi32>,
    %gather3A_181 = tpu.vector_load_idx %arg5[%get3A_180] : memref<1024xf32, #tpu.memory_space<vmem>>[vector<16xi32>], vector<16xf32>,
    %swap3A_182 = arith.constant 496 : index
    %swap3A_183 = tpu.vector_load %arg7[%swap3A_182] {strides = array<i32>} : memref<512xf32, #tpu.memory_space<vmem>>, vector<16xf32>,
    tpu.vector_store %arg7[%swap3A_182], %gather3A_181 {strides = array<i32>} : memref<512xf32, #tpu.memory_space<vmem>>, vector<16xf32>,
    "tpu.region"() ({
      %run_scoped3A = tpu.sem_alloc : memref<!tpu.dma_semaphore, #tpu.memory_space<semaphore_mem>>
      %dma_start3A_184 = tpu.memref_slice %arg4[%mul3A_2] : memref<16384xf32, #tpu.memory_space<hbm>> -> memref<512xf32, #tpu.memory_space<hbm>>
      %dma_start3A_185 = tpu.memref_slice %arg4[%mul3A_2] : memref<16384xf32, #tpu.memory_space<hbm>> -> memref<512xf32, #tpu.memory_space<hbm>>
      tpu.enqueue_dma source(%arg7 : memref<512xf32, #tpu.memory_space<vmem>>) target(%dma_start3A_185 : memref<512xf32, #tpu.memory_space<hbm>>) target_semaphore(%run_scoped3A : memref<!tpu.dma_semaphore, #tpu.memory_space<semaphore_mem>>)
      %dma_wait3A_186 = tpu.memref_slice %arg4[%mul3A_2] : memref<16384xf32, #tpu.memory_space<hbm>> -> memref<512xf32, #tpu.memory_space<hbm>>
      %dma_wait3A_187 = tpu.memref_slice %arg4[%mul3A_2] : memref<16384xf32, #tpu.memory_space<hbm>> -> memref<512xf32, #tpu.memory_space<hbm>>
      tpu.wait_dma2 semaphore(%run_scoped3A : memref<!tpu.dma_semaphore, #tpu.memory_space<semaphore_mem>>) src(%arg7 : memref<512xf32, #tpu.memory_space<vmem>>) dst(%dma_wait3A_187 : memref<512xf32, #tpu.memory_space<hbm>>)
      tpu.yield
    }) : () -> ()
    return
  }
}

module attributes {stable_mosaic.version = 14 : i64} {
  func.func @_table_body(%arg0: memref<1000x100xf32, #tpu.memory_space<vmem>>, %arg1: memref<100x1xf32, #tpu.memory_space<vmem>>, %arg2: memref<1x1xf32, #tpu.memory_space<vmem>>, %arg3: memref<1x1000xf32, #tpu.memory_space<vmem>>) attributes {dimension_semantics = [], scalar_prefetch = 0 : i64, scratch_operands = 0 : i64, tpu.core_type = #tpu.core_type<tc>} {
    %get3A = arith.constant 0 : index
    %get3A_0 = arith.constant 0 : index
    %get3A_1 = vector.load %arg1[%get3A, %get3A_0] : memref<100x1xf32, #tpu.memory_space<vmem>>, vector<100x1xf32>
    %get3A_2 = arith.constant 0 : index
    %get3A_3 = arith.constant 0 : index
    %get3A_4 = vector.load %arg0[%get3A_2, %get3A_3] : memref<1000x100xf32, #tpu.memory_space<vmem>>, vector<1000x100xf32>
    %dot_general3A = arith.constant dense<0.000000e+00> : vector<1x1000xf32>
    %dot_general3A_5 = tpu.matmul %get3A_1, %get3A_4, %dot_general3A {dimension_numbers = #tpu.dot_dimension_numbers<[0], [1], [1], [0], [0, 1, 1, 0], [], []>, transpose_lhs_hint = false} : vector<100x1xf32>, vector<1000x100xf32>, vector<1x1000xf32> -> vector<1x1000xf32>
    %iota3A = tpu.iota {dimensions = array<i32: 1>} : vector<1x1000xi32>
    %eq3A = arith.constant 1 : i32
    %eq3A_6 = vector.broadcast %eq3A : i32 to vector<1x1000xi32>
    %eq3A_7 = arith.cmpi eq, %iota3A, %eq3A_6 : vector<1x1000xi32>
    %jit3A = arith.constant 0.000000e+00 : f32
    %broadcast_in_dim3A = vector.broadcast %jit3A : f32 to vector<1x1000xf32>
    %select_n3A = arith.select %eq3A_7, %broadcast_in_dim3A, %dot_general3A_5 : vector<1x1000xi1>, vector<1x1000xf32>
    %get3A_8 = arith.constant 0 : index
    %get3A_9 = arith.constant 0 : index
    %get3A_10 = vector.load %arg2[%get3A_8, %get3A_9] : memref<1x1xf32, #tpu.memory_space<vmem>>, vector<1x1xf32>
    %add3A = vector.broadcast %get3A_10 : vector<1x1xf32> to vector<1x1000xf32>
    %add3A_11 = arith.addf %select_n3A, %add3A : vector<1x1000xf32>
    %swap3A = arith.constant 0 : index
    %swap3A_12 = arith.constant 0 : index
    %swap3A_13 = vector.load %arg3[%swap3A, %swap3A_12] : memref<1x1000xf32, #tpu.memory_space<vmem>>, vector<1x1000xf32>
    tpu.vector_store %arg3[%swap3A, %swap3A_12], %add3A_11 {strides = array<i32>} : memref<1x1000xf32, #tpu.memory_space<vmem>>, vector<1x1000xf32>,
    return
  }
}

</mosaic_0001>

<sc_bundles>
// kernel: kernel.4.cloned.1.call-start
scs
__scs_entry_jumppad:
0x0: {  	(pc) =	sbr.rel $0x88, $3  }
0x1: {  	(tag) =	ssettag $0x0;
	lr =	simm.s32 $0x1  }
0x2: {  	[smem:$0x3F9D] =	sst lr;
	_ =	strace $0xD0000000  }
0x3: {  	_ = 	snop  }
0x4: {  	_ = 	snop  }
0x5: {  	_ = 	snop  }
0x6: {  	_ = 	snop  }
0x7: {  	_ = 	snop  }
__scs_overlays_trampoline_lowered:
0x8: {  	[smem:$0x3FAC] =	sst s0  }
0x9: {  	[smem:$0x3FAD] =	sst s1  }
0xa: {  	[smem:$0x3FAE] =	sst s2  }
0xb: {  	[smem:$0x3FAF] =	sst s3  }
0xc: {  	[smem:$0x3FB0] =	sst s4  }
0xd: {  	[smem:$0x3FB1] =	sst s5  }
0xe: {  	[smem:$0x3FB2] =	sst s6  }
0xf: {  	[smem:$0x3FB3] =	sst s7  }
0x10: {  	[smem:$0x3FB4] =	sst s8  }
0x11: {  	[smem:$0x3FB5] =	sst s9;
	s0 =	simm.s32 @!p0 $0x0  }
0x12: {  	s1 =	sld [smem:$0x3F9B];
	s0 =	simm.s32 @p0 $0x1  }
0x13: {  	[smem:$0x3FB6] =	sst s0;
	s0 =	simm.s32 @!p1 $0x0  }
0x14: {  	s2 =	sld [smem:$0x3F9A];
	s0 =	simm.s32 @p1 $0x1  }
0x15: {  	[smem:$0x3FB7] =	sst s0;
	s0 =	simm.s32 @!p2 $0x0  }
0x16: {  	s3 =	sld [smem:$0x3FDB];
	s0 =	simm.s32 @p2 $0x1  }
0x17: {  	s4 =	simm.s32 $0x1BF5;
	[smem:$0x3FB9] =	sst s0  }
0x18: {  	s0 =	sld [smem:$0x3F9C];
	_ =	swait.ge [sflag:s4], $0x0  }
0x19: {  	s7 =	sld [smem:$0x3F9D]  }
0x1a: {  	s8 =	sadd.s32 $0xFFFFE003, lr  }
0x1b: {  	s9 =	sadd.s32 $0xFFFFFEF7, lr;
	s5 =	simm.s32 $0xFFFFFFFF;
	p2 =	slt.u32 s8, $0xFFFFF086  }
0x1c: {  	p1 =	slt.u32 s9, $0xF7A;
	s5 =	simm.s32 @!p2 $0x0  }
0x1d: {  	s5 =	simm.s32 @p1 $0x1;
	p0 =	seq.s32 s7, s2  }
0x1e: {  	s7 =	smul.u32 @!p0 $0xF7A, s2;
	p2 =	seq.s32 @!p0 s5, $0x0  }
0x1f: {  	s9 =	smul.u32 $0xF7A, s1;
	s8 =	simm.s32 @!p0 $0x1BF5;
	p2 =	por !p2, p0  }
0x20: {  	[sflag:s8] =	ssyncset.s32 @!p0 $0xFFFFF086;
	s6 =	sadd.s32 @!p0 s3, s7;
	s7 =	simm.s32 @!p0 $0x108  }
0x21: {  	s3 =	sadd.s32 s3, s9;
	s6 =	sadd.s32 @!p0 $0x88, s6;
	s7 =	simm.s32 @p2 $0x1082  }
0x22: {  	[simem:s7], [sflag:s8] =	dma.local @!p0 [hbm:s6], $0xF7A  }
0x23: {  	s9 =	sor.u32 $0xD0000000, s2;
	s6 =	simm.s32 $0x108;
	_ =	swait.ge @!p0 [sflag:s8], $0x0  }
0x24: {  	s3 =	sadd.s32 $0x88, s3;
	s6 =	simm.s32 @!p1 $0x1082;
	[sflag:s4] =	ssyncset.s32 $0xFFFFF086  }
0x25: {  	[simem:s6], [sflag:s4] =	dma.local [hbm:s3], $0xF7A  }
0x26: {  	[smem:$0x3F9D] =	sst s1;
	(tag) =	ssettag s2;
	_ =	strace s9  }
0x27: {  	s1 =	sld [smem:$0x3FAD]  }
0x28: {  	s2 =	sld [smem:$0x3FAE]  }
0x29: {  	s4 =	sld [smem:$0x3FB0]  }
0x2a: {  	p0 =	seq.s32 s5, $0x0;
	s5 =	sld [smem:$0x3FB1]  }
0x2b: {  	s6 =	sld [smem:$0x3FB2]  }
0x2c: {  	s7 =	sld [smem:$0x3FB3]  }
0x2d: {  	s3 =	simm.s32 $0x108;
	s8 =	sld [smem:$0x3FB4]  }
0x2e: {  	s3 =	simm.s32 @!p0 $0x1082;
	s9 =	sld [smem:$0x3FB5]  }
0x2f: {  	lr =	sadd.s32 s0, s3;
	s0 =	sld [smem:$0x3FAC]  }
0x30: {  	s3 =	sld [smem:$0x3FAF]  }
0x31: {  	[smem:$0x3FB8] =	sst s10  }
0x32: {  	s10 =	sld [smem:$0x3FB6];
	_ =	sdelay $0x3  }
0x33: {  	p0 =	seq.s32 s10, $0x1;
	s10 =	sld [smem:$0x3FB8];
	_ =	sdelay $0x3  }
0x34: {  	[smem:$0x3FB8] =	sst s10  }
0x35: {  	s10 =	sld [smem:$0x3FB7];
	_ =	sdelay $0x3  }
0x36: {  	p1 =	seq.s32 s10, $0x1;
	s10 =	sld [smem:$0x3FB8];
	_ =	sdelay $0x3  }
0x37: {  	[smem:$0x3FB8] =	sst s10  }
0x38: {  	s10 =	sld [smem:$0x3FB9]  }
0x39: {  	_ = 	snop;
	(pc) =	sbr.ind lr, $3  }
0x3a: {  	_ = 	snop  }
0x3b: {  	_ = 	snop  }
0x3c: {  	p2 =	seq.s32 s10, $0x1;
	s10 =	sld [smem:$0x3FB8]  }
0x3d: {  	_ =	shalt  }
0x3e: {  	_ =	shalt  }
0x3f: {  	_ =	shalt  }
0x40: {  	_ =	shalt  }
0x41: {  	_ =	shalt  }
0x42: {  	_ =	shalt  }
0x43: {  	_ =	shalt  }
0x44: {  	_ =	shalt  }
0x45: {  	_ =	shalt  }
0x46: {  	_ =	shalt  }
0x47: {  	_ =	shalt  }
0x48: {  	_ =	shalt  }
0x49: {  	_ =	shalt  }
0x4a: {  	_ =	shalt  }
0x4b: {  	_ =	shalt  }
0x4c: {  	_ =	shalt  }
0x4d: {  	_ =	shalt  }
0x4e: {  	_ =	shalt  }
0x4f: {  	_ =	shalt  }
0x50: {  	_ =	shalt  }
0x51: {  	_ =	shalt  }
0x52: {  	_ =	shalt  }
0x53: {  	_ =	shalt  }
0x54: {  	_ =	shalt  }
0x55: {  	_ =	shalt  }
0x56: {  	_ =	shalt  }
0x57: {  	_ =	shalt  }
0x58: {  	_ =	shalt  }
0x59: {  	_ =	shalt  }
0x5a: {  	_ =	shalt  }
0x5b: {  	_ =	shalt  }
0x5c: {  	_ =	shalt  }
0x5d: {  	_ =	shalt  }
0x5e: {  	_ =	shalt  }
0x5f: {  	_ =	shalt  }
0x60: {  	_ =	shalt  }
0x61: {  	_ =	shalt  }
0x62: {  	_ =	shalt  }
0x63: {  	_ =	shalt  }
0x64: {  	_ =	shalt  }
0x65: {  	_ =	shalt  }
0x66: {  	_ =	shalt  }
0x67: {  	_ =	shalt  }
0x68: {  	_ =	shalt  }
0x69: {  	_ =	shalt  }
0x6a: {  	_ =	shalt  }
0x6b: {  	_ =	shalt  }
0x6c: {  	_ =	shalt  }
0x6d: {  	_ =	shalt  }
0x6e: {  	_ =	shalt  }
0x6f: {  	_ =	shalt  }
0x70: {  	_ =	shalt  }
0x71: {  	_ =	shalt  }
0x72: {  	_ =	shalt  }
0x73: {  	_ =	shalt  }
0x74: {  	_ =	shalt  }
0x75: {  	_ =	shalt  }
0x76: {  	_ =	shalt  }
0x77: {  	_ =	shalt  }
0x78: {  	_ =	shalt  }
0x79: {  	_ =	shalt  }
0x7a: {  	_ =	shalt  }
0x7b: {  	_ =	shalt  }
0x7c: {  	_ =	shalt  }
0x7d: {  	_ =	shalt  }
0x7e: {  	_ =	shalt  }
0x7f: {  	_ =	shalt  }
0x80: {  	_ =	shalt  }
0x81: {  	_ =	shalt  }
0x82: {  	_ =	shalt  }
0x83: {  	_ =	shalt  }
0x84: {  	_ =	shalt  }
0x85: {  	_ =	shalt  }
0x86: {  	_ =	shalt  }
0x87: {  	_ =	shalt  }
.Lfunc_end0:
.L_simem_size_0:
called_computation_lowered:
.L_overlay_start_0:
0x88: {  	s2 =	sld [smem:$0x3FD9]  }
0x89: {  	s3 =	sld [smem:$0x3FFE];
	_ =	sdelay $0x1  }
0x8a: {  	s1 =	srdreg.scid  }
0x8b: {  	s0 =	sand.u32 $0x1, s1  }
0x8c: {  	s17 =	sshll.u32 s0, $0xA;
	s2 =	sadd.s32 s3, s2  }
0x8d: {  	s2 =	sadd.s32 s2, s17  }
0x8e: {  	[smem:$0x3FC4] =	sst s2  }
0x8f: {  	_ = 	snop  }
0x90: {  	s2 =	sld [smem:$0x3FD0];
	(tm) =	ssettm $0x1  }
0x91: {  	s18 =	sld [smem:$0x3FFB];
	_ =	sdelay $0x3  }
0x92: {  	_ =	strace s18  }
0x93: {  	s3 =	sld [smem:$0x3FFC];
	_ =	sdelay $0x3  }
0x94: {  	_ =	strace s3  }
0x95: {  	s3 =	sld [smem:$0x3FFD];
	_ =	sdelay $0x3  }
0x96: {  	_ =	strace s3  }
0x97: {  	_ =	strace $0x8FFFFFFF  }
0x98: {  	s19 =	sld [smem:$0x3FDB];
	_ =	sdelay $0x1  }
0x99: {  	s4 =	simm.s32 $_scs_section_size  }
0x9a: {  	s5 =	simm.s32 $_size__tile_overlayer_lowered;
	s6 =	simm.s32 $_tile_overlayer_lowered  }
0x9b: {  	s22 =	simm.s32 $0x1BFF;
	s21 =	sshll.u32 s6, $0x1;
	s3 =	sadd.s32 s4, s19  }
0x9c: {  	s7 =	simm.s32 $0x0;
	s20 =	sshll.u32 s5, $0x1;
	s5 =	sadd.s32 s21, s3  }
0x9d: {  	[timem:s7], [sflag:s22] =	dma.local [hbm:s5], s20  }
0x9e: {  	_ =	swait.ge [sflag:s22], s20  }
0x9f: {  	s4 =	ssub.s32 $0x0, s20;
	[sflag:s22] =	ssyncset.done $0x0  }
0xa0: {  	[sflag:s22] =	ssyncadd.s32 s4;
	_ =	sdelay $0x1  }
0xa1: {  	s23 =	simm.s32 $0x1B8B  }
0xa2: {  	_ =	swait.ge [sflag:s23], $0x1  }
0xa3: {  	[sflag:s23] =	ssyncset.done $0x0  }
0xa4: {  	s25 =	simm.s32 $0x1B8E;
	s24 =	sld [smem:$0x3FFE];
	[sflag:s23] =	ssyncadd.s32 $0xFFFFFFFF  }
0xa5: {  	s26 =	simm.s32 $execute0_lowered;
	[smem:$0x3FD2] =	sst s25  }
0xa6: {  	s5 =	sshll.u32 s26, $0x1;
	_ =	strace $0x80000046;
	[dreg:$0x1] =	wrdreg $0xFFFFFFFF  }
0xa7: {  	s28 =	simm.s32 $_size_execute0_lowered;
	s3 =	sadd.s32 s3, s5;
	[dreg:$0x0] =	wrdreg $0x0  }
0xa8: {  	s5 =	sshll.u32 s28, $0x1;
	[dreg:$0x2] =	wrdreg s3  }
0xa9: {  	[dreg:$0x3] =	wrdreg s5  }
0xaa: {  	[dreg:$0x4] =	wrdreg $0xC0  }
0xab: {  	_ =	task [dreg:s7], $0x5FFFF  }
0xac: {  	[dreg:$0x1] =	wrdreg $0xFFFFFFFF  }
0xad: {  	[dreg:$0x0] =	wrdreg $0x60  }
0xae: {  	[dreg:$0x2] =	wrdreg s24  }
0xaf: {  	[dreg:$0x3] =	wrdreg s2  }
0xb0: {  	[dreg:$0x4] =	wrdreg $0x9  }
0xb1: {  	_ =	task.clear_ibuf [dreg:s7], $0x5FFFF;
	_ =	strace $0x90000046  }
0xb2: {  	s29 =	simm.s32 $0x9;
	_ =	strace $0x80000048  }
0xb3: {  	_ =	swait.ge [sflag:s29], $0x1  }
0xb4: {  	[sflag:s29] =	ssyncadd.s32 $0xFFFFFFFF  }
0xb5: {  	_ =	strace $0x90000048  }
0xb6: {  	_ =	sfence  }
0xb7: {  	s30 =	sld [smem:$0x0];
	_ =	sdelay $0x2  }
0xb8: {  	s31 =	sshll.u32 s1, $0xD;
	s1 =	sshrl.u32 s1, $0x2  }
0xb9: {  	s3 =	sand.u32 $0x4000, s31;
	s1 =	sadd.s32 s1, s30  }
0xba: {  	s0 =	sor.u32 s3, s0;
	s1 =	sshll.u32 s1, $0x11  }
0xbb: {  	s0 =	sor.u32 s1, s0  }
0xbc: {  	s0 =	sadd.s32 $0x8F2B, s0  }
0xbd: {  	[sflag:s0] =	ssyncadd.remote.s32 $0x1  }
0xbe: {  	_ =	sfence.sel $0xFFFF  }
0xbf: {  	[dreg:$0x0] =	wrdreg $0xFFFFFFFF;
	(pc) =	sbr.abs _section_cstart, $3  }
0xc0: {  	[dreg:$0x1] =	wrdreg $0xFFFFFFFF  }
0xc1: {  	_ =	task.clear_ibuf [dreg:s7], $0x2FFFF;
	_ =	strace $0x9FFFFFFF  }
0xc2: {  	(tm) =	ssettm $0x7FFFFFFF  }
0xc3: {  	_ =	shalt  }
tec
execute0_lowered:
.L_overlay_start_1:
0x0: {  	(tag) =	ssettag $0x1  }
0x1: {  	s4 =	rddreg [dreg:$0x0]  }
0x2: {  	s8 =	rddreg [dreg:$0x1];
	s2 =	srdreg.scid  }
0x3: {  	s0 =	rddreg [dreg:$0x2];
	s1 =	stileid.u32;
	s9 =	sand.u32 $0x1, s2  }
0x4: {  	s2 =	simm.s32 $0x0;
	s3 =	sshll.u32 s1, $0x7;
	s5 =	sshll.u32 s9, $0x6  }
0x5: {  	[smem:$0x7FF] =	sst s2;
	s10 =	sor.u32 s5, s3  }
0x6: {  	_ =	strace $0x80000047;
	s3 =	sadd.s32 $0xE00, s4;
	s4 =	sadd.s32 s10, s4  }
0x7: {  	[tilespmem:s2], [sflag:$0x1] =	stream.linear.gather [hbm4b:s3+s2], $0x3E8, $0x38;
	[tilespmem:$0x800] =	vst v63  }
0x8: {  	s6 =	simm.s32 $0x1;
	s5 =	simm.s32 $0x400;
	s4 =	sadd.s32 $0x600, s4  }
0x9: {  	[tilespmem:s5], [sflag:$0x2] =	stream.linear.gather [hbm4b:s4+s2], $0x200, $0x38;
	[tilespmem:$0x800] =	vst v63  }
0xa: {  	_ =	swait.ge [sflag:s6], $0x3E8  }
0xb: {  	[sflag:s6] =	ssyncset.done $0x0  }
0xc: {  	s7 =	simm.s32 $0x2;
	[sflag:s6] =	ssyncadd.s32 $0xFFFFFC18  }
0xd: {  	_ =	swait.ge [sflag:s7], $0x200  }
0xe: {  	[sflag:s7] =	ssyncset.done $0x0  }
0xf: {  	[sflag:s7] =	ssyncadd.s32 $0xFFFFFE00  }
0x10: {  	v0 =	vld [tilespmem:$0x400];
	_ =	sdelay $0x5  }
0x11: {  	v1 =	vld [tilespmem:$0x410];
	_ =	sdelay $0x1  }
0x12: {  	v0 =	vld.idx.msk [tilespmem:v0+s2+$0x0], $0xffff;
	_ =	sdelay $0x3  }
0x13: {  	v2 =	vld [tilespmem:$0x420]  }
0x14: {  	[tilespmem:$0x600] =	vst v0  }
0x15: {  	v0 =	vld.idx.msk [tilespmem:v1+s2+$0x0], $0xffff;
	_ =	sdelay $0x3  }
0x16: {  	v35 =	vld [tilespmem:$0x430]  }
0x17: {  	[tilespmem:$0x610] =	vst v0  }
0x18: {  	v0 =	vld.idx.msk [tilespmem:v2+s2+$0x0], $0xffff;
	_ =	sdelay $0x3  }
0x19: {  	v36 =	vld [tilespmem:$0x440]  }
0x1a: {  	[tilespmem:$0x620] =	vst v0  }
0x1b: {  	v0 =	vld.idx.msk [tilespmem:v35+s2+$0x0], $0xffff;
	_ =	sdelay $0x3  }
0x1c: {  	v37 =	vld [tilespmem:$0x450]  }
0x1d: {  	[tilespmem:$0x630] =	vst v0  }
0x1e: {  	v0 =	vld.idx.msk [tilespmem:v36+s2+$0x0], $0xffff;
	_ =	sdelay $0x3  }
0x1f: {  	v38 =	vld [tilespmem:$0x460]  }
0x20: {  	[tilespmem:$0x640] =	vst v0  }
0x21: {  	v0 =	vld.idx.msk [tilespmem:v37+s2+$0x0], $0xffff;
	_ =	sdelay $0x3  }
0x22: {  	v39 =	vld [tilespmem:$0x470]  }
0x23: {  	[tilespmem:$0x650] =	vst v0  }
0x24: {  	v0 =	vld.idx.msk [tilespmem:v38+s2+$0x0], $0xffff;
	_ =	sdelay $0x3  }
0x25: {  	v40 =	vld [tilespmem:$0x480]  }
0x26: {  	[tilespmem:$0x660] =	vst v0  }
0x27: {  	v0 =	vld.idx.msk [tilespmem:v39+s2+$0x0], $0xffff;
	_ =	sdelay $0x3  }
0x28: {  	v41 =	vld [tilespmem:$0x490]  }
0x29: {  	[tilespmem:$0x670] =	vst v0  }
0x2a: {  	v0 =	vld.idx.msk [tilespmem:v40+s2+$0x0], $0xffff;
	_ =	sdelay $0x3  }
0x2b: {  	v42 =	vld [tilespmem:$0x4A0]  }
0x2c: {  	[tilespmem:$0x680] =	vst v0  }
0x2d: {  	v0 =	vld.idx.msk [tilespmem:v41+s2+$0x0], $0xffff;
	_ =	sdelay $0x3  }
0x2e: {  	v43 =	vld [tilespmem:$0x4B0]  }
0x2f: {  	[tilespmem:$0x690] =	vst v0  }
0x30: {  	v0 =	vld.idx.msk [tilespmem:v42+s2+$0x0], $0xffff;
	_ =	sdelay $0x3  }
0x31: {  	v44 =	vld [tilespmem:$0x4C0]  }
0x32: {  	[tilespmem:$0x6A0] =	vst v0  }
0x33: {  	v0 =	vld.idx.msk [tilespmem:v43+s2+$0x0], $0xffff;
	_ =	sdelay $0x3  }
0x34: {  	v45 =	vld [tilespmem:$0x4D0]  }
0x35: {  	[tilespmem:$0x6B0] =	vst v0  }
0x36: {  	v0 =	vld.idx.msk [tilespmem:v44+s2+$0x0], $0xffff;
	_ =	sdelay $0x3  }
0x37: {  	v46 =	vld [tilespmem:$0x4E0]  }
0x38: {  	[tilespmem:$0x6C0] =	vst v0  }
0x39: {  	v0 =	vld.idx.msk [tilespmem:v45+s2+$0x0], $0xffff;
	_ =	sdelay $0x3  }
0x3a: {  	v47 =	vld [tilespmem:$0x4F0]  }
0x3b: {  	[tilespmem:$0x6D0] =	vst v0  }
0x3c: {  	v0 =	vld.idx.msk [tilespmem:v46+s2+$0x0], $0xffff;
	_ =	sdelay $0x3  }
0x3d: {  	v48 =	vld [tilespmem:$0x500]  }
0x3e: {  	[tilespmem:$0x6E0] =	vst v0  }
0x3f: {  	v0 =	vld.idx.msk [tilespmem:v47+s2+$0x0], $0xffff;
	_ =	sdelay $0x3  }
0x40: {  	v49 =	vld [tilespmem:$0x510]  }
0x41: {  	[tilespmem:$0x6F0] =	vst v0  }
0x42: {  	v0 =	vld.idx.msk [tilespmem:v48+s2+$0x0], $0xffff;
	_ =	sdelay $0x3  }
0x43: {  	v50 =	vld [tilespmem:$0x520]  }
0x44: {  	[tilespmem:$0x700] =	vst v0  }
0x45: {  	v0 =	vld.idx.msk [tilespmem:v49+s2+$0x0], $0xffff;
	_ =	sdelay $0x3  }
0x46: {  	v51 =	vld [tilespmem:$0x530]  }
0x47: {  	[tilespmem:$0x710] =	vst v0  }
0x48: {  	v0 =	vld.idx.msk [tilespmem:v50+s2+$0x0], $0xffff;
	_ =	sdelay $0x3  }
0x49: {  	v52 =	vld [tilespmem:$0x540]  }
0x4a: {  	[tilespmem:$0x720] =	vst v0  }
0x4b: {  	v0 =	vld.idx.msk [tilespmem:v51+s2+$0x0], $0xffff;
	_ =	sdelay $0x3  }
0x4c: {  	v53 =	vld [tilespmem:$0x550]  }
0x4d: {  	[tilespmem:$0x730] =	vst v0  }
0x4e: {  	v0 =	vld.idx.msk [tilespmem:v52+s2+$0x0], $0xffff;
	_ =	sdelay $0x3  }
0x4f: {  	v54 =	vld [tilespmem:$0x560]  }
0x50: {  	[tilespmem:$0x740] =	vst v0  }
0x51: {  	v0 =	vld.idx.msk [tilespmem:v53+s2+$0x0], $0xffff;
	_ =	sdelay $0x3  }
0x52: {  	v55 =	vld [tilespmem:$0x570]  }
0x53: {  	[tilespmem:$0x750] =	vst v0  }
0x54: {  	v0 =	vld.idx.msk [tilespmem:v54+s2+$0x0], $0xffff;
	_ =	sdelay $0x3  }
0x55: {  	v56 =	vld [tilespmem:$0x580]  }
0x56: {  	[tilespmem:$0x760] =	vst v0  }
0x57: {  	v0 =	vld.idx.msk [tilespmem:v55+s2+$0x0], $0xffff;
	_ =	sdelay $0x3  }
0x58: {  	v57 =	vld [tilespmem:$0x590]  }
0x59: {  	[tilespmem:$0x770] =	vst v0  }
0x5a: {  	v0 =	vld.idx.msk [tilespmem:v56+s2+$0x0], $0xffff;
	_ =	sdelay $0x3  }
0x5b: {  	v58 =	vld [tilespmem:$0x5A0]  }
0x5c: {  	[tilespmem:$0x780] =	vst v0  }
0x5d: {  	v0 =	vld.idx.msk [tilespmem:v57+s2+$0x0], $0xffff;
	_ =	sdelay $0x3  }
0x5e: {  	v59 =	vld [tilespmem:$0x5B0]  }
0x5f: {  	[tilespmem:$0x790] =	vst v0  }
0x60: {  	v0 =	vld.idx.msk [tilespmem:v58+s2+$0x0], $0xffff;
	_ =	sdelay $0x3  }
0x61: {  	v60 =	vld [tilespmem:$0x5C0]  }
0x62: {  	[tilespmem:$0x7A0] =	vst v0  }
0x63: {  	v0 =	vld.idx.msk [tilespmem:v59+s2+$0x0], $0xffff;
	_ =	sdelay $0x3  }
0x64: {  	v61 =	vld [tilespmem:$0x5D0]  }
0x65: {  	[tilespmem:$0x7B0] =	vst v0  }
0x66: {  	v0 =	vld.idx.msk [tilespmem:v60+s2+$0x0], $0xffff;
	_ =	sdelay $0x3  }
0x67: {  	v62 =	vld [tilespmem:$0x5E0]  }
0x68: {  	[tilespmem:$0x7C0] =	vst v0  }
0x69: {  	v0 =	vld.idx.msk [tilespmem:v61+s2+$0x0], $0xffff;
	_ =	sdelay $0x3  }
0x6a: {  	v63 =	vld [tilespmem:$0x5F0]  }
0x6b: {  	[tilespmem:$0x7D0] =	vst v0  }
0x6c: {  	v0 =	vld.idx.msk [tilespmem:v62+s2+$0x0], $0xffff;
	_ =	sdelay $0x4  }
0x6d: {  	s9 =	ssub.s32 $0x2, s9;
	[tilespmem:$0x7E0] =	vst v0  }
0x6e: {  	s11 =	sshrl.u32 s9, $0x1;
	v0 =	vld.idx.msk [tilespmem:v63+s2+$0x0], $0xffff  }
0x6f: {  	s9 =	ssub.s32 s9, s11  }
0x70: {  	s11 =	smax.u32 s9, $0x1  }
0x71: {  	p0 =	sne.s32 s11, $0x1  }
.Ltmp0:
0x72: {  	_ = 	snop;
	(pc) =	sbr.rel @!p0 .LBB2_2-.Ltmp0, $4  }
0x73: {  	s8 =	sadd.s32 s8, s10;
	s10 =	simm.s32 $0x600;
	s9 =	simm.s32 $0x3;
	[tilespmem:$0x7F0] =	vst v0  }
0x74: {  	[hbm4b:s8+s2] =	stream.linear.scatter [tilespmem:s10], [sflag:$0x3], $0x200, $0x38;
	[tilespmem:$0x800] =	vst v63  }
0x75: {  	_ =	swait.ge [sflag:s9], $0x200  }
0x76: {  	s11 =	sadd.s32 $0xFFFFFFFF, s11;
	[sflag:s9] =	ssyncset.done $0x0  }
.LBB2_1:
0x77: {  	p0 =	sne.s32 s11, $0x1;
	s11 =	sadd.s32 $0xFFFFFFFF, s11;
	[sflag:s9] =	ssyncadd.s32 $0xFFFFFE00  }
0x78: {  	[tilespmem:s2], [sflag:$0x1] =	stream.linear.gather [hbm4b:s3+s2], $0x3E8, $0x38;
	[tilespmem:$0x800] =	vst v63  }
0x79: {  	_ = 	snop  }
0x7a: {  	[tilespmem:s5], [sflag:$0x2] =	stream.linear.gather [hbm4b:s4+s2], $0x200, $0x38;
	[tilespmem:$0x800] =	vst v63  }
0x7b: {  	_ =	swait.ge [sflag:s6], $0x3E8  }
0x7c: {  	[sflag:s6] =	ssyncset.done $0x0  }
0x7d: {  	[sflag:s6] =	ssyncadd.s32 $0xFFFFFC18  }
0x7e: {  	_ =	swait.ge [sflag:s7], $0x200  }
0x7f: {  	[sflag:s7] =	ssyncset.done $0x0  }
0x80: {  	[sflag:s7] =	ssyncadd.s32 $0xFFFFFE00  }
0x81: {  	v0 =	vld [tilespmem:$0x400];
	_ =	sdelay $0x6  }
0x82: {  	v1 =	vld [tilespmem:$0x410]  }
0x83: {  	v0 =	vld.idx.msk [tilespmem:v0+s2+$0x0], $0xffff;
	_ =	sdelay $0x5  }
0x84: {  	[tilespmem:$0x600] =	vst v0;
	v0 =	vld [tilespmem:$0x420]  }
0x85: {  	v1 =	vld.idx.msk [tilespmem:v1+s2+$0x0], $0xffff;
	_ =	sdelay $0x5  }
0x86: {  	[tilespmem:$0x610] =	vst v1;
	v1 =	vld [tilespmem:$0x430]  }
0x87: {  	v0 =	vld.idx.msk [tilespmem:v0+s2+$0x0], $0xffff;
	_ =	sdelay $0x5  }
0x88: {  	[tilespmem:$0x620] =	vst v0;
	v0 =	vld [tilespmem:$0x440]  }
0x89: {  	v1 =	vld.idx.msk [tilespmem:v1+s2+$0x0], $0xffff;
	_ =	sdelay $0x5  }
0x8a: {  	[tilespmem:$0x630] =	vst v1;
	v1 =	vld [tilespmem:$0x450]  }
0x8b: {  	v0 =	vld.idx.msk [tilespmem:v0+s2+$0x0], $0xffff;
	_ =	sdelay $0x5  }
0x8c: {  	[tilespmem:$0x640] =	vst v0;
	v0 =	vld [tilespmem:$0x460]  }
0x8d: {  	v1 =	vld.idx.msk [tilespmem:v1+s2+$0x0], $0xffff;
	_ =	sdelay $0x5  }
0x8e: {  	[tilespmem:$0x650] =	vst v1;
	v1 =	vld [tilespmem:$0x470]  }
0x8f: {  	v0 =	vld.idx.msk [tilespmem:v0+s2+$0x0], $0xffff;
	_ =	sdelay $0x5  }
0x90: {  	[tilespmem:$0x660] =	vst v0;
	v0 =	vld [tilespmem:$0x480]  }
0x91: {  	v1 =	vld.idx.msk [tilespmem:v1+s2+$0x0], $0xffff;
	_ =	sdelay $0x5  }
0x92: {  	[tilespmem:$0x670] =	vst v1;
	v1 =	vld [tilespmem:$0x490]  }
0x93: {  	v0 =	vld.idx.msk [tilespmem:v0+s2+$0x0], $0xffff;
	_ =	sdelay $0x5  }
0x94: {  	[tilespmem:$0x680] =	vst v0;
	v0 =	vld [tilespmem:$0x4A0]  }
0x95: {  	v1 =	vld.idx.msk [tilespmem:v1+s2+$0x0], $0xffff;
	_ =	sdelay $0x5  }
0x96: {  	[tilespmem:$0x690] =	vst v1;
	v1 =	vld [tilespmem:$0x4B0]  }
0x97: {  	v0 =	vld.idx.msk [tilespmem:v0+s2+$0x0], $0xffff;
	_ =	sdelay $0x5  }
0x98: {  	[tilespmem:$0x6A0] =	vst v0;
	v0 =	vld [tilespmem:$0x4C0]  }
0x99: {  	v1 =	vld.idx.msk [tilespmem:v1+s2+$0x0], $0xffff;
	_ =	sdelay $0x5  }
0x9a: {  	[tilespmem:$0x6B0] =	vst v1;
	v1 =	vld [tilespmem:$0x4D0]  }
0x9b: {  	v0 =	vld.idx.msk [tilespmem:v0+s2+$0x0], $0xffff;
	_ =	sdelay $0x5  }
0x9c: {  	[tilespmem:$0x6C0] =	vst v0;
	v0 =	vld [tilespmem:$0x4E0]  }
0x9d: {  	v1 =	vld.idx.msk [tilespmem:v1+s2+$0x0], $0xffff;
	_ =	sdelay $0x5  }
0x9e: {  	[tilespmem:$0x6D0] =	vst v1;
	v1 =	vld [tilespmem:$0x4F0]  }
0x9f: {  	v0 =	vld.idx.msk [tilespmem:v0+s2+$0x0], $0xffff;
	_ =	sdelay $0x5  }
0xa0: {  	[tilespmem:$0x6E0] =	vst v0;
	v0 =	vld [tilespmem:$0x500]  }
0xa1: {  	v1 =	vld.idx.msk [tilespmem:v1+s2+$0x0], $0xffff;
	_ =	sdelay $0x5  }
0xa2: {  	[tilespmem:$0x6F0] =	vst v1;
	v1 =	vld [tilespmem:$0x510]  }
0xa3: {  	v0 =	vld.idx.msk [tilespmem:v0+s2+$0x0], $0xffff;
	_ =	sdelay $0x5  }
0xa4: {  	[tilespmem:$0x700] =	vst v0;
	v0 =	vld [tilespmem:$0x520]  }
0xa5: {  	v1 =	vld.idx.msk [tilespmem:v1+s2+$0x0], $0xffff;
	_ =	sdelay $0x5  }
0xa6: {  	[tilespmem:$0x710] =	vst v1;
	v1 =	vld [tilespmem:$0x530]  }
0xa7: {  	v0 =	vld.idx.msk [tilespmem:v0+s2+$0x0], $0xffff;
	_ =	sdelay $0x5  }
0xa8: {  	[tilespmem:$0x720] =	vst v0;
	v0 =	vld [tilespmem:$0x540]  }
0xa9: {  	v1 =	vld.idx.msk [tilespmem:v1+s2+$0x0], $0xffff;
	_ =	sdelay $0x5  }
0xaa: {  	[tilespmem:$0x730] =	vst v1;
	v1 =	vld [tilespmem:$0x550]  }
0xab: {  	v0 =	vld.idx.msk [tilespmem:v0+s2+$0x0], $0xffff;
	_ =	sdelay $0x5  }
0xac: {  	[tilespmem:$0x740] =	vst v0;
	v0 =	vld [tilespmem:$0x560]  }
0xad: {  	v1 =	vld.idx.msk [tilespmem:v1+s2+$0x0], $0xffff;
	_ =	sdelay $0x5  }
0xae: {  	[tilespmem:$0x750] =	vst v1;
	v1 =	vld [tilespmem:$0x570]  }
0xaf: {  	v0 =	vld.idx.msk [tilespmem:v0+s2+$0x0], $0xffff;
	_ =	sdelay $0x5  }
0xb0: {  	[tilespmem:$0x760] =	vst v0;
	v0 =	vld [tilespmem:$0x580]  }
0xb1: {  	v1 =	vld.idx.msk [tilespmem:v1+s2+$0x0], $0xffff;
	_ =	sdelay $0x5  }
0xb2: {  	[tilespmem:$0x770] =	vst v1;
	v1 =	vld [tilespmem:$0x590]  }
0xb3: {  	v0 =	vld.idx.msk [tilespmem:v0+s2+$0x0], $0xffff;
	_ =	sdelay $0x5  }
0xb4: {  	[tilespmem:$0x780] =	vst v0;
	v0 =	vld [tilespmem:$0x5A0]  }
0xb5: {  	v1 =	vld.idx.msk [tilespmem:v1+s2+$0x0], $0xffff;
	_ =	sdelay $0x5  }
0xb6: {  	[tilespmem:$0x790] =	vst v1;
	v1 =	vld [tilespmem:$0x5B0]  }
0xb7: {  	v0 =	vld.idx.msk [tilespmem:v0+s2+$0x0], $0xffff;
	_ =	sdelay $0x5  }
0xb8: {  	[tilespmem:$0x7A0] =	vst v0;
	v0 =	vld [tilespmem:$0x5C0]  }
0xb9: {  	v1 =	vld.idx.msk [tilespmem:v1+s2+$0x0], $0xffff;
	_ =	sdelay $0x5  }
0xba: {  	[tilespmem:$0x7B0] =	vst v1;
	v1 =	vld [tilespmem:$0x5D0]  }
0xbb: {  	v0 =	vld.idx.msk [tilespmem:v0+s2+$0x0], $0xffff;
	_ =	sdelay $0x5  }
0xbc: {  	[tilespmem:$0x7C0] =	vst v0;
	v0 =	vld [tilespmem:$0x5E0]  }
0xbd: {  	v1 =	vld.idx.msk [tilespmem:v1+s2+$0x0], $0xffff;
	_ =	sdelay $0x5  }
0xbe: {  	[tilespmem:$0x7D0] =	vst v1;
	v1 =	vld [tilespmem:$0x5F0]  }
0xbf: {  	v0 =	vld.idx.msk [tilespmem:v0+s2+$0x0], $0xffff;
	_ =	sdelay $0x5  }
0xc0: {  	[tilespmem:$0x7E0] =	vst v0  }
0xc1: {  	v0 =	vld.idx.msk [tilespmem:v1+s2+$0x0], $0xffff;
	_ =	sdelay $0x4  }
.Ltmp1:
0xc2: {  	(pc) =	sbr.rel @p0 .LBB2_1-.Ltmp1, $4  }
0xc3: {  	[tilespmem:$0x7F0] =	vst v0  }
0xc4: {  	[hbm4b:s8+s2] =	stream.linear.scatter [tilespmem:s10], [sflag:$0x3], $0x200, $0x38;
	[tilespmem:$0x800] =	vst v63  }
0xc5: {  	_ =	swait.ge [sflag:s9], $0x200  }
0xc6: {  	[sflag:s9] =	ssyncset.done $0x0  }
.LBB2_2:
0xc7: {  	[sflag:s9] =	ssyncadd.s32 $0xFFFFFE00  }
0xc8: {  	_ =	sfence.sel $0x180000  }
0xc9: {  	[bflag:$0x0] =	sbarrier.arrive $0xFFFF  }
0xca: {  	p0 =	sne.s32 s1, $0x0;
	_ =	strace $0x90000047  }
0xcb: {  	s0 =	sadd.s32 @!p0 $0x100000, s0;
	[bflag:$0x2] =	sbarrier.arrive $0xFFFF  }
0xcc: {  	[sflag:s0] =	ssyncadd.tile.s32 @!p0 $0x1;
	_ =	shalt  }
.Lfunc_end2:
_tile_overlayer_lowered:
.L_overlay_start_2:
0xcd: {  	(tag) =	ssettag $0x2  }
0xce: {  	s0 =	rddreg [dreg:$0x0];
	s2 =	stileid.u32  }
0xcf: {  	s1 =	rddreg [dreg:$0x1];
	p0 =	sne.s32 s2, $0x0  }
0xd0: {  	s3 =	rddreg [dreg:$0x2];
	[bflag:$0x3] =	sbarrier.arrive $0xFFFF;
	s2 =	simm.s32 @!p0 $0x1C03  }
0xd1: {  	[timem:s3], [sflag:s2] =	dma.local @!p0 [hbm:s0], s1  }
0xd2: {  	s0 =	simm.s32 @!p0 $0x3  }
0xd3: {  	_ =	swait.ge @!p0 [sflag:s0], s1  }
0xd4: {  	s1 =	ssub.s32 @!p0 $0x0, s1;
	[sflag:s0] =	ssyncset.done @!p0 $0x0  }
0xd5: {  	[sflag:s0] =	ssyncadd.s32 @!p0 s1  }
0xd6: {  	[bflag:$0x3] =	sbarrier.arrive $0xFFFF  }
0xd7: {  	_ =	shalt  }

</sc_bundles>
